<compile_context>
chip_gen: v7x
topology: tpu7x:2x2x1
jax: 0.10.2.dev20260603
libtpu: 0.0.44.dev20260713+nightly
codegen_flags: <defaults>
</compile_context>

<pallas_src>
import functools

import jax
import jax.numpy as jnp
from jax import lax
from jax.experimental import pallas as pl
from jax.experimental.pallas import tpu as pltpu
from jax.experimental.pallas import tpu_sc as plsc

_BATCH = 16384
_N_SPANS = 20
_D = 128
_B_TOTAL = _BATCH * _N_SPANS
_NUM_CORES = 2
_NUM_SUBCORES = 16
_NW = _NUM_CORES * _NUM_SUBCORES
_B_PER_W = _B_TOTAL // _NW
_CHUNK = 160
_N_CHUNKS = _B_PER_W // _CHUNK
_NBUF = 4
assert _N_CHUNKS % _NBUF == 0
_TABLE_ROWS = 1000
_REPS = 16


def _sc_gather(table_hbm, idx_hbm, out_hbm, idx_v, *bufs_and_sems):
    bufs = bufs_and_sems[:_NBUF]
    gsems = bufs_and_sems[_NBUF:2 * _NBUF]
    osems = bufs_and_sems[2 * _NBUF:3 * _NBUF]

    wid = lax.axis_index("s") * _NUM_CORES + lax.axis_index("c")
    base = wid * _B_PER_W

    pltpu.sync_copy(idx_hbm.at[pl.ds(base, _B_PER_W)], idx_v)

    def start_gather(c, b):
        pltpu.async_copy(
            table_hbm.at[idx_v.at[pl.ds(c * _CHUNK, _CHUNK)]], bufs[b], gsems[b]
        )

    def wait_gather(c, b):
        pltpu.make_async_copy(
            table_hbm.at[idx_v.at[pl.ds(c * _CHUNK, _CHUNK)]], bufs[b], gsems[b]
        ).wait()

    def start_out(c, b):
        pltpu.async_copy(
            bufs[b], out_hbm.at[pl.ds(base + c * _CHUNK, _CHUNK)], osems[b]
        )

    def wait_out(c, b):
        pltpu.make_async_copy(
            bufs[b], out_hbm.at[pl.ds(base + c * _CHUNK, _CHUNK)], osems[b]
        ).wait()

    start_gather(0, 0)
    start_gather(1, 1)
    for c in (0, 1):
        start_gather(c + 2, (c + 2) % _NBUF)
        wait_gather(c, c % _NBUF)
        start_out(c, c % _NBUF)

    @pl.loop(2, _N_CHUNKS - 2, step=_NBUF)
    def _chunk(c0):
        for b in range(_NBUF):
            c = c0 + b
            wait_out(c - 2, b)
            start_gather(c + 2, b)
            wait_gather(c, (b + 2) % _NBUF)
            start_out(c, (b + 2) % _NBUF)

    for c in (_N_CHUNKS - 2, _N_CHUNKS - 1):
        wait_out(c - 2, (c - 2) % _NBUF)
        wait_gather(c, c % _NBUF)
        start_out(c, c % _NBUF)
    for c in (_N_CHUNKS - 2, _N_CHUNKS - 1):
        wait_out(c, c % _NBUF)


def kernel(span_width, span_width_embeddings):
    idx = span_width.T.reshape(_B_TOTAL)
    rep = (jnp.arange(_B_TOTAL, dtype=jnp.int32) // _B_PER_W) % _REPS
    idx = idx - 1 + rep * _TABLE_ROWS
    table_rep = jnp.tile(span_width_embeddings, (_REPS, 1))
    mesh = plsc.VectorSubcoreMesh(
        core_axis_name="c",
        subcore_axis_name="s",
        num_cores=_NUM_CORES,
        num_subcores=_NUM_SUBCORES,
    )
    run = functools.partial(
        pl.kernel,
        mesh=mesh,
        out_type=jax.ShapeDtypeStruct((_B_TOTAL, _D), jnp.float32),
        scratch_types=(
            [pltpu.VMEM((_B_PER_W,), jnp.int32)]
            + [pltpu.VMEM((_CHUNK, _D), jnp.float32) for _ in range(_NBUF)]
            + [pltpu.SemaphoreType.DMA for _ in range(2 * _NBUF)]
        ),
        compiler_params=pltpu.CompilerParams(use_tc_tiling_on_sc=True),
    )(_sc_gather)
    out = run(table_rep, idx)
    return out.reshape(_N_SPANS, _BATCH, _D).transpose(1, 0, 2)

# --- scband reference (transcript-rebuilt; emitter-appended) ---
"""Pipeline reference for scband-span-embedding-module-23991687315507 (READ-ONLY COPY).

The authoritative reference and input builder live on the scoring server;
editing this copy changes nothing except your own understanding.
"""

import jax, jax.numpy as jnp
import numpy as np

MAX_SPAN_WIDTH = 1000
FEATURE_SIZE = 128
BATCH = 16384
N_SPANS = 20


def setup_inputs(seed: int = 0) -> dict:
    key = jax.random.key(seed)
    k1, k2 = jax.random.split(key)
    # span_width values must be in [1, MAX_SPAN_WIDTH] since forward subtracts 1
    span_width = jax.random.randint(k1, (BATCH, N_SPANS), 1, MAX_SPAN_WIDTH + 1, dtype=jnp.int32)
    # learned parameter: nn.Parameter(torch.randn(MAX_SPAN_WIDTH, FEATURE_SIZE) * 0.02)
    span_width_embeddings = jax.random.normal(k2, (MAX_SPAN_WIDTH, FEATURE_SIZE), dtype=jnp.float32) * 0.02
    return {"span_width": span_width, "span_width_embeddings": span_width_embeddings}


def reference(span_width, span_width_embeddings):
    # span_width_index = span_width - 1
    span_width_index = span_width - 1
    # embedding gather: self.span_width_embeddings[span_width_index]
    span_width_emb = jnp.take(span_width_embeddings, span_width_index, axis=0)
    # nn.Dropout is identity in eval/inference mode
    return span_width_emb

if __name__ == "__main__":
    import jax
    _d = setup_inputs()
    print(jax.jit(kernel)(*tuple(_d.values())))

</pallas_src>

<mosaic_0001>
#map = affine_map<(d0, d1) -> (0, 0)>
#map1 = affine_map<(d0, d1) -> (0)>
module attributes {stable_mosaic.version = 14 : i64} {
  func.func @_sc_gather(%arg0: i32, %arg1: i32, %arg2: memref<16000x128xf32, #tpu.memory_space<hbm>>, %arg3: memref<327680xi32, #tpu.memory_space<hbm>>, %arg4: memref<327680x128xf32, #tpu.memory_space<hbm>>, %arg5: memref<10240xi32, #tpu.memory_space<vmem>>, %arg6: memref<160x128xf32, #tpu.memory_space<vmem>>, %arg7: memref<160x128xf32, #tpu.memory_space<vmem>>, %arg8: memref<160x128xf32, #tpu.memory_space<vmem>>, %arg9: memref<160x128xf32, #tpu.memory_space<vmem>>, %arg10: memref<!tpu.dma_semaphore, #tpu.memory_space<semaphore_mem>>, %arg11: memref<!tpu.dma_semaphore, #tpu.memory_space<semaphore_mem>>, %arg12: memref<!tpu.dma_semaphore, #tpu.memory_space<semaphore_mem>>, %arg13: memref<!tpu.dma_semaphore, #tpu.memory_space<semaphore_mem>>, %arg14: memref<!tpu.dma_semaphore, #tpu.memory_space<semaphore_mem>>, %arg15: memref<!tpu.dma_semaphore, #tpu.memory_space<semaphore_mem>>, %arg16: memref<!tpu.dma_semaphore, #tpu.memory_space<semaphore_mem>>, %arg17: memref<!tpu.dma_semaphore, #tpu.memory_space<semaphore_mem>>) attributes {dimension_semantics = [#tpu.dimension_semantics<core_parallel>, #tpu.dimension_semantics<subcore_parallel>], iteration_bounds = array<i64: 2, 16>, scalar_prefetch = 0 : i64, scratch_operands = 13 : i64, tpu.core_type = #tpu.core_type<sc_vector_subcore>, window_params = [{transform_indices = #map}, {transform_indices = #map1}, {transform_indices = #map}]} {
    %mul3A = arith.constant 2 : i32
    %mul3A_0 = arith.muli %arg1, %mul3A : i32
    %add3A = arith.addi %mul3A_0, %arg0 : i32
    %mul3A_1 = arith.constant 10240 : i32
    %mul3A_2 = arith.muli %add3A, %mul3A_1 : i32
    "tpu.region"() ({
      %run_scoped3A = tpu.sem_alloc : memref<!tpu.dma_semaphore, #tpu.memory_space<semaphore_mem>>
      %dma_start3A_93 = tpu.memref_slice %arg3[%mul3A_2] : memref<327680xi32, #tpu.memory_space<hbm>> -> memref<10240xi32, #tpu.memory_space<hbm>>
      %dma_start3A_94 = tpu.memref_slice %arg3[%mul3A_2] : memref<327680xi32, #tpu.memory_space<hbm>> -> memref<10240xi32, #tpu.memory_space<hbm>>
      tpu.enqueue_dma source(%dma_start3A_94 : memref<10240xi32, #tpu.memory_space<hbm>>) target(%arg5 : memref<10240xi32, #tpu.memory_space<vmem>>) target_semaphore(%run_scoped3A : memref<!tpu.dma_semaphore, #tpu.memory_space<semaphore_mem>>)
      %dma_wait3A_95 = tpu.memref_slice %arg3[%mul3A_2] : memref<327680xi32, #tpu.memory_space<hbm>> -> memref<10240xi32, #tpu.memory_space<hbm>>
      %dma_wait3A_96 = tpu.memref_slice %arg3[%mul3A_2] : memref<327680xi32, #tpu.memory_space<hbm>> -> memref<10240xi32, #tpu.memory_space<hbm>>
      tpu.wait_dma2 semaphore(%run_scoped3A : memref<!tpu.dma_semaphore, #tpu.memory_space<semaphore_mem>>) src(%dma_wait3A_96 : memref<10240xi32, #tpu.memory_space<hbm>>) dst(%arg5 : memref<10240xi32, #tpu.memory_space<vmem>>)
      tpu.yield
    }) : () -> ()
    %dma_start3A = arith.constant 0 : i32
    %dma_start3A_3 = tpu.memref_slice %arg5[%dma_start3A] : memref<10240xi32, #tpu.memory_space<vmem>> -> memref<160xi32, #tpu.memory_space<vmem>>
    %dma_start3A_4 = arith.constant 0 : i32
    %dma_start3A_5 = arith.constant 0 : i32
    %dma_start3A_6 = tpu.memref_slice %arg2[%dma_start3A_4, %dma_start3A_5] : memref<16000x128xf32, #tpu.memory_space<hbm>> -> memref<16000x128xf32, #tpu.memory_space<hbm>>
    tpu.enqueue_indirect_dma source(%dma_start3A_6 : memref<16000x128xf32, #tpu.memory_space<hbm>>) target(%arg6 : memref<160x128xf32, #tpu.memory_space<vmem>>) offsets(%dma_start3A_3 : memref<160xi32, #tpu.memory_space<vmem>>) semaphore(%arg10 : memref<!tpu.dma_semaphore, #tpu.memory_space<semaphore_mem>>)
    %dma_start3A_7 = arith.constant 160 : i32
    %dma_start3A_8 = tpu.memref_slice %arg5[%dma_start3A_7] : memref<10240xi32, #tpu.memory_space<vmem>> -> memref<160xi32, #tpu.memory_space<vmem>>
    %dma_start3A_9 = arith.constant 0 : i32
    %dma_start3A_10 = arith.constant 0 : i32
    %dma_start3A_11 = tpu.memref_slice %arg2[%dma_start3A_9, %dma_start3A_10] : memref<16000x128xf32, #tpu.memory_space<hbm>> -> memref<16000x128xf32, #tpu.memory_space<hbm>>
    tpu.enqueue_indirect_dma source(%dma_start3A_11 : memref<16000x128xf32, #tpu.memory_space<hbm>>) target(%arg7 : memref<160x128xf32, #tpu.memory_space<vmem>>) offsets(%dma_start3A_8 : memref<160xi32, #tpu.memory_space<vmem>>) semaphore(%arg11 : memref<!tpu.dma_semaphore, #tpu.memory_space<semaphore_mem>>)
    %dma_start3A_12 = arith.constant 320 : i32
    %dma_start3A_13 = tpu.memref_slice %arg5[%dma_start3A_12] : memref<10240xi32, #tpu.memory_space<vmem>> -> memref<160xi32, #tpu.memory_space<vmem>>
    %dma_start3A_14 = arith.constant 0 : i32
    %dma_start3A_15 = arith.constant 0 : i32
    %dma_start3A_16 = tpu.memref_slice %arg2[%dma_start3A_14, %dma_start3A_15] : memref<16000x128xf32, #tpu.memory_space<hbm>> -> memref<16000x128xf32, #tpu.memory_space<hbm>>
    tpu.enqueue_indirect_dma source(%dma_start3A_16 : memref<16000x128xf32, #tpu.memory_space<hbm>>) target(%arg8 : memref<160x128xf32, #tpu.memory_space<vmem>>) offsets(%dma_start3A_13 : memref<160xi32, #tpu.memory_space<vmem>>) semaphore(%arg12 : memref<!tpu.dma_semaphore, #tpu.memory_space<semaphore_mem>>)
    %dma_wait3A = arith.constant 0 : i32
    %dma_wait3A_17 = tpu.memref_slice %arg5[%dma_wait3A] : memref<10240xi32, #tpu.memory_space<vmem>> -> memref<160xi32, #tpu.memory_space<vmem>>
    %dma_wait3A_18 = arith.constant 0 : i32
    %dma_wait3A_19 = arith.constant 0 : i32
    %dma_wait3A_20 = tpu.memref_slice %arg2[%dma_wait3A_18, %dma_wait3A_19] : memref<16000x128xf32, #tpu.memory_space<hbm>> -> memref<16000x128xf32, #tpu.memory_space<hbm>>
    tpu.wait_indirect_dma semaphore(%arg10 : memref<!tpu.dma_semaphore, #tpu.memory_space<semaphore_mem>>) src(%dma_wait3A_20 : memref<16000x128xf32, #tpu.memory_space<hbm>>) dst(%arg6 : memref<160x128xf32, #tpu.memory_space<vmem>>)
    %add3A_21 = arith.constant 0 : i32
    %add3A_22 = arith.addi %mul3A_2, %add3A_21 : i32
    %dma_start3A_23 = arith.constant 0 : i32
    %dma_start3A_24 = tpu.memref_slice %arg4[%add3A_22, %dma_start3A_23] : memref<327680x128xf32, #tpu.memory_space<hbm>> -> memref<160x128xf32, #tpu.memory_space<hbm>>
    %dma_start3A_25 = arith.constant 0 : i32
    %dma_start3A_26 = tpu.memref_slice %arg4[%add3A_22, %dma_start3A_25] : memref<327680x128xf32, #tpu.memory_space<hbm>> -> memref<160x128xf32, #tpu.memory_space<hbm>>
    tpu.enqueue_dma source(%arg6 : memref<160x128xf32, #tpu.memory_space<vmem>>) target(%dma_start3A_26 : memref<160x128xf32, #tpu.memory_space<hbm>>) target_semaphore(%arg14 : memref<!tpu.dma_semaphore, #tpu.memory_space<semaphore_mem>>)
    %dma_start3A_27 = arith.constant 480 : i32
    %dma_start3A_28 = tpu.memref_slice %arg5[%dma_start3A_27] : memref<10240xi32, #tpu.memory_space<vmem>> -> memref<160xi32, #tpu.memory_space<vmem>>
    %dma_start3A_29 = arith.constant 0 : i32
    %dma_start3A_30 = arith.constant 0 : i32
    %dma_start3A_31 = tpu.memref_slice %arg2[%dma_start3A_29, %dma_start3A_30] : memref<16000x128xf32, #tpu.memory_space<hbm>> -> memref<16000x128xf32, #tpu.memory_space<hbm>>
    tpu.enqueue_indirect_dma source(%dma_start3A_31 : memref<16000x128xf32, #tpu.memory_space<hbm>>) target(%arg9 : memref<160x128xf32, #tpu.memory_space<vmem>>) offsets(%dma_start3A_28 : memref<160xi32, #tpu.memory_space<vmem>>) semaphore(%arg13 : memref<!tpu.dma_semaphore, #tpu.memory_space<semaphore_mem>>)
    %dma_wait3A_32 = arith.constant 160 : i32
    %dma_wait3A_33 = tpu.memref_slice %arg5[%dma_wait3A_32] : memref<10240xi32, #tpu.memory_space<vmem>> -> memref<160xi32, #tpu.memory_space<vmem>>
    %dma_wait3A_34 = arith.constant 0 : i32
    %dma_wait3A_35 = arith.constant 0 : i32
    %dma_wait3A_36 = tpu.memref_slice %arg2[%dma_wait3A_34, %dma_wait3A_35] : memref<16000x128xf32, #tpu.memory_space<hbm>> -> memref<16000x128xf32, #tpu.memory_space<hbm>>
    tpu.wait_indirect_dma semaphore(%arg11 : memref<!tpu.dma_semaphore, #tpu.memory_space<semaphore_mem>>) src(%dma_wait3A_36 : memref<16000x128xf32, #tpu.memory_space<hbm>>) dst(%arg7 : memref<160x128xf32, #tpu.memory_space<vmem>>)
    %add3A_37 = arith.constant 160 : i32
    %add3A_38 = arith.addi %mul3A_2, %add3A_37 : i32
    %dma_start3A_39 = arith.constant 0 : i32
    %dma_start3A_40 = tpu.memref_slice %arg4[%add3A_38, %dma_start3A_39] : memref<327680x128xf32, #tpu.memory_space<hbm>> -> memref<160x128xf32, #tpu.memory_space<hbm>>
    %dma_start3A_41 = arith.constant 0 : i32
    %dma_start3A_42 = tpu.memref_slice %arg4[%add3A_38, %dma_start3A_41] : memref<327680x128xf32, #tpu.memory_space<hbm>> -> memref<160x128xf32, #tpu.memory_space<hbm>>
    tpu.enqueue_dma source(%arg7 : memref<160x128xf32, #tpu.memory_space<vmem>>) target(%dma_start3A_42 : memref<160x128xf32, #tpu.memory_space<hbm>>) target_semaphore(%arg15 : memref<!tpu.dma_semaphore, #tpu.memory_space<semaphore_mem>>)
    %scan3A = arith.constant 0 : i32
    %scan3A_43 = arith.constant 15 : i32
    %scan3A_44 = arith.addi %scan3A, %scan3A_43 : i32
    %scan3A_45 = arith.constant 1 : i32
    scf.for %scan3A_93 = %scan3A to %scan3A_44 step %scan3A_45  : i32 {
      %mul3A_94 = arith.constant 4 : i32
      %mul3A_95 = arith.muli %scan3A_93, %mul3A_94 : i32
      %add3A_96 = arith.constant 2 : i32
      %add3A_97 = arith.addi %add3A_96, %mul3A_95 : i32
      %add3A_98 = arith.constant 0 : i32
      %add3A_99 = arith.addi %add3A_97, %add3A_98 : i32
      %sub3A = arith.constant 2 : i32
      %sub3A_100 = arith.subi %add3A_99, %sub3A : i32
      %mul3A_101 = arith.constant 160 : i32
      %mul3A_102 = arith.muli %sub3A_100, %mul3A_101 : i32
      %add3A_103 = arith.addi %mul3A_2, %mul3A_102 : i32
      %dma_wait3A_104 = arith.constant 0 : i32
      %dma_wait3A_105 = tpu.memref_slice %arg4[%add3A_103, %dma_wait3A_104] : memref<327680x128xf32, #tpu.memory_space<hbm>> -> memref<160x128xf32, #tpu.memory_space<hbm>>
      %dma_wait3A_106 = arith.constant 0 : i32
      %dma_wait3A_107 = tpu.memref_slice %arg4[%add3A_103, %dma_wait3A_106] : memref<327680x128xf32, #tpu.memory_space<hbm>> -> memref<160x128xf32, #tpu.memory_space<hbm>>
      tpu.wait_dma2 semaphore(%arg14 : memref<!tpu.dma_semaphore, #tpu.memory_space<semaphore_mem>>) src(%arg6 : memref<160x128xf32, #tpu.memory_space<vmem>>) dst(%dma_wait3A_107 : memref<160x128xf32, #tpu.memory_space<hbm>>)
      %add3A_108 = arith.constant 2 : i32
      %add3A_109 = arith.addi %add3A_99, %add3A_108 : i32
      %mul3A_110 = arith.constant 160 : i32
      %mul3A_111 = arith.muli %add3A_109, %mul3A_110 : i32
      %dma_start3A_112 = tpu.memref_slice %arg5[%mul3A_111] : memref<10240xi32, #tpu.memory_space<vmem>> -> memref<160xi32, #tpu.memory_space<vmem>>
      %dma_start3A_113 = arith.constant 0 : i32
      %dma_start3A_114 = arith.constant 0 : i32
      %dma_start3A_115 = tpu.memref_slice %arg2[%dma_start3A_113, %dma_start3A_114] : memref<16000x128xf32, #tpu.memory_space<hbm>> -> memref<16000x128xf32, #tpu.memory_space<hbm>>
      tpu.enqueue_indirect_dma source(%dma_start3A_115 : memref<16000x128xf32, #tpu.memory_space<hbm>>) target(%arg6 : memref<160x128xf32, #tpu.memory_space<vmem>>) offsets(%dma_start3A_112 : memref<160xi32, #tpu.memory_space<vmem>>) semaphore(%arg10 : memref<!tpu.dma_semaphore, #tpu.memory_space<semaphore_mem>>)
      %mul3A_116 = arith.constant 160 : i32
      %mul3A_117 = arith.muli %add3A_99, %mul3A_116 : i32
      %dma_wait3A_118 = tpu.memref_slice %arg5[%mul3A_117] : memref<10240xi32, #tpu.memory_space<vmem>> -> memref<160xi32, #tpu.memory_space<vmem>>
      %dma_wait3A_119 = arith.constant 0 : i32
      %dma_wait3A_120 = arith.constant 0 : i32
      %dma_wait3A_121 = tpu.memref_slice %arg2[%dma_wait3A_119, %dma_wait3A_120] : memref<16000x128xf32, #tpu.memory_space<hbm>> -> memref<16000x128xf32, #tpu.memory_space<hbm>>
      tpu.wait_indirect_dma semaphore(%arg12 : memref<!tpu.dma_semaphore, #tpu.memory_space<semaphore_mem>>) src(%dma_wait3A_121 : memref<16000x128xf32, #tpu.memory_space<hbm>>) dst(%arg8 : memref<160x128xf32, #tpu.memory_space<vmem>>)
      %mul3A_122 = arith.constant 160 : i32
      %mul3A_123 = arith.muli %add3A_99, %mul3A_122 : i32
      %add3A_124 = arith.addi %mul3A_2, %mul3A_123 : i32
      %dma_start3A_125 = arith.constant 0 : i32
      %dma_start3A_126 = tpu.memref_slice %arg4[%add3A_124, %dma_start3A_125] : memref<327680x128xf32, #tpu.memory_space<hbm>> -> memref<160x128xf32, #tpu.memory_space<hbm>>
      %dma_start3A_127 = arith.constant 0 : i32
      %dma_start3A_128 = tpu.memref_slice %arg4[%add3A_124, %dma_start3A_127] : memref<327680x128xf32, #tpu.memory_space<hbm>> -> memref<160x128xf32, #tpu.memory_space<hbm>>
      tpu.enqueue_dma source(%arg8 : memref<160x128xf32, #tpu.memory_space<vmem>>) target(%dma_start3A_128 : memref<160x128xf32, #tpu.memory_space<hbm>>) target_semaphore(%arg16 : memref<!tpu.dma_semaphore, #tpu.memory_space<semaphore_mem>>)
      %add3A_129 = arith.constant 1 : i32
      %add3A_130 = arith.addi %add3A_97, %add3A_129 : i32
      %sub3A_131 = arith.constant 2 : i32
      %sub3A_132 = arith.subi %add3A_130, %sub3A_131 : i32
      %mul3A_133 = arith.constant 160 : i32
      %mul3A_134 = arith.muli %sub3A_132, %mul3A_133 : i32
      %add3A_135 = arith.addi %mul3A_2, %mul3A_134 : i32
      %dma_wait3A_136 = arith.constant 0 : i32
      %dma_wait3A_137 = tpu.memref_slice %arg4[%add3A_135, %dma_wait3A_136] : memref<327680x128xf32, #tpu.memory_space<hbm>> -> memref<160x128xf32, #tpu.memory_space<hbm>>
      %dma_wait3A_138 = arith.constant 0 : i32
      %dma_wait3A_139 = tpu.memref_slice %arg4[%add3A_135, %dma_wait3A_138] : memref<327680x128xf32, #tpu.memory_space<hbm>> -> memref<160x128xf32, #tpu.memory_space<hbm>>
      tpu.wait_dma2 semaphore(%arg15 : memref<!tpu.dma_semaphore, #tpu.memory_space<semaphore_mem>>) src(%arg7 : memref<160x128xf32, #tpu.memory_space<vmem>>) dst(%dma_wait3A_139 : memref<160x128xf32, #tpu.memory_space<hbm>>)
      %add3A_140 = arith.constant 2 : i32
      %add3A_141 = arith.addi %add3A_130, %add3A_140 : i32
      %mul3A_142 = arith.constant 160 : i32
      %mul3A_143 = arith.muli %add3A_141, %mul3A_142 : i32
      %dma_start3A_144 = tpu.memref_slice %arg5[%mul3A_143] : memref<10240xi32, #tpu.memory_space<vmem>> -> memref<160xi32, #tpu.memory_space<vmem>>
      %dma_start3A_145 = arith.constant 0 : i32
      %dma_start3A_146 = arith.constant 0 : i32
      %dma_start3A_147 = tpu.memref_slice %arg2[%dma_start3A_145, %dma_start3A_146] : memref<16000x128xf32, #tpu.memory_space<hbm>> -> memref<16000x128xf32, #tpu.memory_space<hbm>>
      tpu.enqueue_indirect_dma source(%dma_start3A_147 : memref<16000x128xf32, #tpu.memory_space<hbm>>) target(%arg7 : memref<160x128xf32, #tpu.memory_space<vmem>>) offsets(%dma_start3A_144 : memref<160xi32, #tpu.memory_space<vmem>>) semaphore(%arg11 : memref<!tpu.dma_semaphore, #tpu.memory_space<semaphore_mem>>)
      %mul3A_148 = arith.constant 160 : i32
      %mul3A_149 = arith.muli %add3A_130, %mul3A_148 : i32
      %dma_wait3A_150 = tpu.memref_slice %arg5[%mul3A_149] : memref<10240xi32, #tpu.memory_space<vmem>> -> memref<160xi32, #tpu.memory_space<vmem>>
      %dma_wait3A_151 = arith.constant 0 : i32
      %dma_wait3A_152 = arith.constant 0 : i32
      %dma_wait3A_153 = tpu.memref_slice %arg2[%dma_wait3A_151, %dma_wait3A_152] : memref<16000x128xf32, #tpu.memory_space<hbm>> -> memref<16000x128xf32, #tpu.memory_space<hbm>>
      tpu.wait_indirect_dma semaphore(%arg13 : memref<!tpu.dma_semaphore, #tpu.memory_space<semaphore_mem>>) src(%dma_wait3A_153 : memref<16000x128xf32, #tpu.memory_space<hbm>>) dst(%arg9 : memref<160x128xf32, #tpu.memory_space<vmem>>)
      %mul3A_154 = arith.constant 160 : i32
      %mul3A_155 = arith.muli %add3A_130, %mul3A_154 : i32
      %add3A_156 = arith.addi %mul3A_2, %mul3A_155 : i32
      %dma_start3A_157 = arith.constant 0 : i32
      %dma_start3A_158 = tpu.memref_slice %arg4[%add3A_156, %dma_start3A_157] : memref<327680x128xf32, #tpu.memory_space<hbm>> -> memref<160x128xf32, #tpu.memory_space<hbm>>
      %dma_start3A_159 = arith.constant 0 : i32
      %dma_start3A_160 = tpu.memref_slice %arg4[%add3A_156, %dma_start3A_159] : memref<327680x128xf32, #tpu.memory_space<hbm>> -> memref<160x128xf32, #tpu.memory_space<hbm>>
      tpu.enqueue_dma source(%arg9 : memref<160x128xf32, #tpu.memory_space<vmem>>) target(%dma_start3A_160 : memref<160x128xf32, #tpu.memory_space<hbm>>) target_semaphore(%arg17 : memref<!tpu.dma_semaphore, #tpu.memory_space<semaphore_mem>>)
      %add3A_161 = arith.constant 2 : i32
      %add3A_162 = arith.addi %add3A_97, %add3A_161 : i32
      %sub3A_163 = arith.constant 2 : i32
      %sub3A_164 = arith.subi %add3A_162, %sub3A_163 : i32
      %mul3A_165 = arith.constant 160 : i32
      %mul3A_166 = arith.muli %sub3A_164, %mul3A_165 : i32
      %add3A_167 = arith.addi %mul3A_2, %mul3A_166 : i32
      %dma_wait3A_168 = arith.constant 0 : i32
      %dma_wait3A_169 = tpu.memref_slice %arg4[%add3A_167, %dma_wait3A_168] : memref<327680x128xf32, #tpu.memory_space<hbm>> -> memref<160x128xf32, #tpu.memory_space<hbm>>
      %dma_wait3A_170 = arith.constant 0 : i32
      %dma_wait3A_171 = tpu.memref_slice %arg4[%add3A_167, %dma_wait3A_170] : memref<327680x128xf32, #tpu.memory_space<hbm>> -> memref<160x128xf32, #tpu.memory_space<hbm>>
      tpu.wait_dma2 semaphore(%arg16 : memref<!tpu.dma_semaphore, #tpu.memory_space<semaphore_mem>>) src(%arg8 : memref<160x128xf32, #tpu.memory_space<vmem>>) dst(%dma_wait3A_171 : memref<160x128xf32, #tpu.memory_space<hbm>>)
      %add3A_172 = arith.constant 2 : i32
      %add3A_173 = arith.addi %add3A_162, %add3A_172 : i32
      %mul3A_174 = arith.constant 160 : i32
      %mul3A_175 = arith.muli %add3A_173, %mul3A_174 : i32
      %dma_start3A_176 = tpu.memref_slice %arg5[%mul3A_175] : memref<10240xi32, #tpu.memory_space<vmem>> -> memref<160xi32, #tpu.memory_space<vmem>>
      %dma_start3A_177 = arith.constant 0 : i32
      %dma_start3A_178 = arith.constant 0 : i32
      %dma_start3A_179 = tpu.memref_slice %arg2[%dma_start3A_177, %dma_start3A_178] : memref<16000x128xf32, #tpu.memory_space<hbm>> -> memref<16000x128xf32, #tpu.memory_space<hbm>>
      tpu.enqueue_indirect_dma source(%dma_start3A_179 : memref<16000x128xf32, #tpu.memory_space<hbm>>) target(%arg8 : memref<160x128xf32, #tpu.memory_space<vmem>>) offsets(%dma_start3A_176 : memref<160xi32, #tpu.memory_space<vmem>>) semaphore(%arg12 : memref<!tpu.dma_semaphore, #tpu.memory_space<semaphore_mem>>)
      %mul3A_180 = arith.constant 160 : i32
      %mul3A_181 = arith.muli %add3A_162, %mul3A_180 : i32
      %dma_wait3A_182 = tpu.memref_slice %arg5[%mul3A_181] : memref<10240xi32, #tpu.memory_space<vmem>> -> memref<160xi32, #tpu.memory_space<vmem>>
      %dma_wait3A_183 = arith.constant 0 : i32
      %dma_wait3A_184 = arith.constant 0 : i32
      %dma_wait3A_185 = tpu.memref_slice %arg2[%dma_wait3A_183, %dma_wait3A_184] : memref<16000x128xf32, #tpu.memory_space<hbm>> -> memref<16000x128xf32, #tpu.memory_space<hbm>>
      tpu.wait_indirect_dma semaphore(%arg10 : memref<!tpu.dma_semaphore, #tpu.memory_space<semaphore_mem>>) src(%dma_wait3A_185 : memref<16000x128xf32, #tpu.memory_space<hbm>>) dst(%arg6 : memref<160x128xf32, #tpu.memory_space<vmem>>)
      %mul3A_186 = arith.constant 160 : i32
      %mul3A_187 = arith.muli %add3A_162, %mul3A_186 : i32
      %add3A_188 = arith.addi %mul3A_2, %mul3A_187 : i32
      %dma_start3A_189 = arith.constant 0 : i32
      %dma_start3A_190 = tpu.memref_slice %arg4[%add3A_188, %dma_start3A_189] : memref<327680x128xf32, #tpu.memory_space<hbm>> -> memref<160x128xf32, #tpu.memory_space<hbm>>
      %dma_start3A_191 = arith.constant 0 : i32
      %dma_start3A_192 = tpu.memref_slice %arg4[%add3A_188, %dma_start3A_191] : memref<327680x128xf32, #tpu.memory_space<hbm>> -> memref<160x128xf32, #tpu.memory_space<hbm>>
      tpu.enqueue_dma source(%arg6 : memref<160x128xf32, #tpu.memory_space<vmem>>) target(%dma_start3A_192 : memref<160x128xf32, #tpu.memory_space<hbm>>) target_semaphore(%arg14 : memref<!tpu.dma_semaphore, #tpu.memory_space<semaphore_mem>>)
      %add3A_193 = arith.constant 3 : i32
      %add3A_194 = arith.addi %add3A_97, %add3A_193 : i32
      %sub3A_195 = arith.constant 2 : i32
      %sub3A_196 = arith.subi %add3A_194, %sub3A_195 : i32
      %mul3A_197 = arith.constant 160 : i32
      %mul3A_198 = arith.muli %sub3A_196, %mul3A_197 : i32
      %add3A_199 = arith.addi %mul3A_2, %mul3A_198 : i32
      %dma_wait3A_200 = arith.constant 0 : i32
      %dma_wait3A_201 = tpu.memref_slice %arg4[%add3A_199, %dma_wait3A_200] : memref<327680x128xf32, #tpu.memory_space<hbm>> -> memref<160x128xf32, #tpu.memory_space<hbm>>
      %dma_wait3A_202 = arith.constant 0 : i32
      %dma_wait3A_203 = tpu.memref_slice %arg4[%add3A_199, %dma_wait3A_202] : memref<327680x128xf32, #tpu.memory_space<hbm>> -> memref<160x128xf32, #tpu.memory_space<hbm>>
      tpu.wait_dma2 semaphore(%arg17 : memref<!tpu.dma_semaphore, #tpu.memory_space<semaphore_mem>>) src(%arg9 : memref<160x128xf32, #tpu.memory_space<vmem>>) dst(%dma_wait3A_203 : memref<160x128xf32, #tpu.memory_space<hbm>>)
      %add3A_204 = arith.constant 2 : i32
      %add3A_205 = arith.addi %add3A_194, %add3A_204 : i32
      %mul3A_206 = arith.constant 160 : i32
      %mul3A_207 = arith.muli %add3A_205, %mul3A_206 : i32
      %dma_start3A_208 = tpu.memref_slice %arg5[%mul3A_207] : memref<10240xi32, #tpu.memory_space<vmem>> -> memref<160xi32, #tpu.memory_space<vmem>>
      %dma_start3A_209 = arith.constant 0 : i32
      %dma_start3A_210 = arith.constant 0 : i32
      %dma_start3A_211 = tpu.memref_slice %arg2[%dma_start3A_209, %dma_start3A_210] : memref<16000x128xf32, #tpu.memory_space<hbm>> -> memref<16000x128xf32, #tpu.memory_space<hbm>>
      tpu.enqueue_indirect_dma source(%dma_start3A_211 : memref<16000x128xf32, #tpu.memory_space<hbm>>) target(%arg9 : memref<160x128xf32, #tpu.memory_space<vmem>>) offsets(%dma_start3A_208 : memref<160xi32, #tpu.memory_space<vmem>>) semaphore(%arg13 : memref<!tpu.dma_semaphore, #tpu.memory_space<semaphore_mem>>)
      %mul3A_212 = arith.constant 160 : i32
      %mul3A_213 = arith.muli %add3A_194, %mul3A_212 : i32
      %dma_wait3A_214 = tpu.memref_slice %arg5[%mul3A_213] : memref<10240xi32, #tpu.memory_space<vmem>> -> memref<160xi32, #tpu.memory_space<vmem>>
      %dma_wait3A_215 = arith.constant 0 : i32
      %dma_wait3A_216 = arith.constant 0 : i32
      %dma_wait3A_217 = tpu.memref_slice %arg2[%dma_wait3A_215, %dma_wait3A_216] : memref<16000x128xf32, #tpu.memory_space<hbm>> -> memref<16000x128xf32, #tpu.memory_space<hbm>>
      tpu.wait_indirect_dma semaphore(%arg11 : memref<!tpu.dma_semaphore, #tpu.memory_space<semaphore_mem>>) src(%dma_wait3A_217 : memref<16000x128xf32, #tpu.memory_space<hbm>>) dst(%arg7 : memref<160x128xf32, #tpu.memory_space<vmem>>)
      %mul3A_218 = arith.constant 160 : i32
      %mul3A_219 = arith.muli %add3A_194, %mul3A_218 : i32
      %add3A_220 = arith.addi %mul3A_2, %mul3A_219 : i32
      %dma_start3A_221 = arith.constant 0 : i32
      %dma_start3A_222 = tpu.memref_slice %arg4[%add3A_220, %dma_start3A_221] : memref<327680x128xf32, #tpu.memory_space<hbm>> -> memref<160x128xf32, #tpu.memory_space<hbm>>
      %dma_start3A_223 = arith.constant 0 : i32
      %dma_start3A_224 = tpu.memref_slice %arg4[%add3A_220, %dma_start3A_223] : memref<327680x128xf32, #tpu.memory_space<hbm>> -> memref<160x128xf32, #tpu.memory_space<hbm>>
      tpu.enqueue_dma source(%arg7 : memref<160x128xf32, #tpu.memory_space<vmem>>) target(%dma_start3A_224 : memref<160x128xf32, #tpu.memory_space<hbm>>) target_semaphore(%arg15 : memref<!tpu.dma_semaphore, #tpu.memory_space<semaphore_mem>>)
    }
    %scan3A_46 = arith.constant 15 : i32
    %add3A_47 = arith.constant 9600 : i32
    %add3A_48 = arith.addi %mul3A_2, %add3A_47 : i32
    %dma_wait3A_49 = arith.constant 0 : i32
    %dma_wait3A_50 = tpu.memref_slice %arg4[%add3A_48, %dma_wait3A_49] : memref<327680x128xf32, #tpu.memory_space<hbm>> -> memref<160x128xf32, #tpu.memory_space<hbm>>
    %dma_wait3A_51 = arith.constant 0 : i32
    %dma_wait3A_52 = tpu.memref_slice %arg4[%add3A_48, %dma_wait3A_51] : memref<327680x128xf32, #tpu.memory_space<hbm>> -> memref<160x128xf32, #tpu.memory_space<hbm>>
    tpu.wait_dma2 semaphore(%arg14 : memref<!tpu.dma_semaphore, #tpu.memory_space<semaphore_mem>>) src(%arg6 : memref<160x128xf32, #tpu.memory_space<vmem>>) dst(%dma_wait3A_52 : memref<160x128xf32, #tpu.memory_space<hbm>>)
    %dma_wait3A_53 = arith.constant 9920 : i32
    %dma_wait3A_54 = tpu.memref_slice %arg5[%dma_wait3A_53] : memref<10240xi32, #tpu.memory_space<vmem>> -> memref<160xi32, #tpu.memory_space<vmem>>
    %dma_wait3A_55 = arith.constant 0 : i32
    %dma_wait3A_56 = arith.constant 0 : i32
    %dma_wait3A_57 = tpu.memref_slice %arg2[%dma_wait3A_55, %dma_wait3A_56] : memref<16000x128xf32, #tpu.memory_space<hbm>> -> memref<16000x128xf32, #tpu.memory_space<hbm>>
    tpu.wait_indirect_dma semaphore(%arg12 : memref<!tpu.dma_semaphore, #tpu.memory_space<semaphore_mem>>) src(%dma_wait3A_57 : memref<16000x128xf32, #tpu.memory_space<hbm>>) dst(%arg8 : memref<160x128xf32, #tpu.memory_space<vmem>>)
    %add3A_58 = arith.constant 9920 : i32
    %add3A_59 = arith.addi %mul3A_2, %add3A_58 : i32
    %dma_start3A_60 = arith.constant 0 : i32
    %dma_start3A_61 = tpu.memref_slice %arg4[%add3A_59, %dma_start3A_60] : memref<327680x128xf32, #tpu.memory_space<hbm>> -> memref<160x128xf32, #tpu.memory_space<hbm>>
    %dma_start3A_62 = arith.constant 0 : i32
    %dma_start3A_63 = tpu.memref_slice %arg4[%add3A_59, %dma_start3A_62] : memref<327680x128xf32, #tpu.memory_space<hbm>> -> memref<160x128xf32, #tpu.memory_space<hbm>>
    tpu.enqueue_dma source(%arg8 : memref<160x128xf32, #tpu.memory_space<vmem>>) target(%dma_start3A_63 : memref<160x128xf32, #tpu.memory_space<hbm>>) target_semaphore(%arg16 : memref<!tpu.dma_semaphore, #tpu.memory_space<semaphore_mem>>)
    %add3A_64 = arith.constant 9760 : i32
    %add3A_65 = arith.addi %mul3A_2, %add3A_64 : i32
    %dma_wait3A_66 = arith.constant 0 : i32
    %dma_wait3A_67 = tpu.memref_slice %arg4[%add3A_65, %dma_wait3A_66] : memref<327680x128xf32, #tpu.memory_space<hbm>> -> memref<160x128xf32, #tpu.memory_space<hbm>>
    %dma_wait3A_68 = arith.constant 0 : i32
    %dma_wait3A_69 = tpu.memref_slice %arg4[%add3A_65, %dma_wait3A_68] : memref<327680x128xf32, #tpu.memory_space<hbm>> -> memref<160x128xf32, #tpu.memory_space<hbm>>
    tpu.wait_dma2 semaphore(%arg15 : memref<!tpu.dma_semaphore, #tpu.memory_space<semaphore_mem>>) src(%arg7 : memref<160x128xf32, #tpu.memory_space<vmem>>) dst(%dma_wait3A_69 : memref<160x128xf32, #tpu.memory_space<hbm>>)
    %dma_wait3A_70 = arith.constant 10080 : i32
    %dma_wait3A_71 = tpu.memref_slice %arg5[%dma_wait3A_70] : memref<10240xi32, #tpu.memory_space<vmem>> -> memref<160xi32, #tpu.memory_space<vmem>>
    %dma_wait3A_72 = arith.constant 0 : i32
    %dma_wait3A_73 = arith.constant 0 : i32
    %dma_wait3A_74 = tpu.memref_slice %arg2[%dma_wait3A_72, %dma_wait3A_73] : memref<16000x128xf32, #tpu.memory_space<hbm>> -> memref<16000x128xf32, #tpu.memory_space<hbm>>
    tpu.wait_indirect_dma semaphore(%arg13 : memref<!tpu.dma_semaphore, #tpu.memory_space<semaphore_mem>>) src(%dma_wait3A_74 : memref<16000x128xf32, #tpu.memory_space<hbm>>) dst(%arg9 : memref<160x128xf32, #tpu.memory_space<vmem>>)
    %add3A_75 = arith.constant 10080 : i32
    %add3A_76 = arith.addi %mul3A_2, %add3A_75 : i32
    %dma_start3A_77 = arith.constant 0 : i32
    %dma_start3A_78 = tpu.memref_slice %arg4[%add3A_76, %dma_start3A_77] : memref<327680x128xf32, #tpu.memory_space<hbm>> -> memref<160x128xf32, #tpu.memory_space<hbm>>
    %dma_start3A_79 = arith.constant 0 : i32
    %dma_start3A_80 = tpu.memref_slice %arg4[%add3A_76, %dma_start3A_79] : memref<327680x128xf32, #tpu.memory_space<hbm>> -> memref<160x128xf32, #tpu.memory_space<hbm>>
    tpu.enqueue_dma source(%arg9 : memref<160x128xf32, #tpu.memory_space<vmem>>) target(%dma_start3A_80 : memref<160x128xf32, #tpu.memory_space<hbm>>) target_semaphore(%arg17 : memref<!tpu.dma_semaphore, #tpu.memory_space<semaphore_mem>>)
    %add3A_81 = arith.constant 9920 : i32
    %add3A_82 = arith.addi %mul3A_2, %add3A_81 : i32
    %dma_wait3A_83 = arith.constant 0 : i32
    %dma_wait3A_84 = tpu.memref_slice %arg4[%add3A_82, %dma_wait3A_83] : memref<327680x128xf32, #tpu.memory_space<hbm>> -> memref<160x128xf32, #tpu.memory_space<hbm>>
    %dma_wait3A_85 = arith.constant 0 : i32
    %dma_wait3A_86 = tpu.memref_slice %arg4[%add3A_82, %dma_wait3A_85] : memref<327680x128xf32, #tpu.memory_space<hbm>> -> memref<160x128xf32, #tpu.memory_space<hbm>>
    tpu.wait_dma2 semaphore(%arg16 : memref<!tpu.dma_semaphore, #tpu.memory_space<semaphore_mem>>) src(%arg8 : memref<160x128xf32, #tpu.memory_space<vmem>>) dst(%dma_wait3A_86 : memref<160x128xf32, #tpu.memory_space<hbm>>)
    %add3A_87 = arith.constant 10080 : i32
    %add3A_88 = arith.addi %mul3A_2, %add3A_87 : i32
    %dma_wait3A_89 = arith.constant 0 : i32
    %dma_wait3A_90 = tpu.memref_slice %arg4[%add3A_88, %dma_wait3A_89] : memref<327680x128xf32, #tpu.memory_space<hbm>> -> memref<160x128xf32, #tpu.memory_space<hbm>>
    %dma_wait3A_91 = arith.constant 0 : i32
    %dma_wait3A_92 = tpu.memref_slice %arg4[%add3A_88, %dma_wait3A_91] : memref<327680x128xf32, #tpu.memory_space<hbm>> -> memref<160x128xf32, #tpu.memory_space<hbm>>
    tpu.wait_dma2 semaphore(%arg17 : memref<!tpu.dma_semaphore, #tpu.memory_space<semaphore_mem>>) src(%arg9 : memref<160x128xf32, #tpu.memory_space<vmem>>) dst(%dma_wait3A_92 : memref<160x128xf32, #tpu.memory_space<hbm>>)
    return
  }
}

</mosaic_0001>

<sc_bundles>
// kernel: kernel.3.cloned.1.call-start
scs
__scs_entry_jumppad:
0x0: {  	(pc) =	sbr.rel $0x88, $3  }
0x1: {  	(tag) =	ssettag $0x0;
	lr =	simm.s32 $0x1  }
0x2: {  	[smem:$0x3F9F] =	sst lr;
	_ =	strace $0xD0000000  }
0x3: {  	_ = 	snop  }
0x4: {  	_ = 	snop  }
0x5: {  	_ = 	snop  }
0x6: {  	_ = 	snop  }
0x7: {  	_ = 	snop  }
__scs_overlays_trampoline_lowered:
0x8: {  	[smem:$0x3FAE] =	sst s0  }
0x9: {  	[smem:$0x3FAF] =	sst s1  }
0xa: {  	[smem:$0x3FB0] =	sst s2  }
0xb: {  	[smem:$0x3FB1] =	sst s3  }
0xc: {  	[smem:$0x3FB2] =	sst s4  }
0xd: {  	[smem:$0x3FB3] =	sst s5  }
0xe: {  	[smem:$0x3FB4] =	sst s6  }
0xf: {  	[smem:$0x3FB5] =	sst s7  }
0x10: {  	[smem:$0x3FB6] =	sst s8  }
0x11: {  	[smem:$0x3FB7] =	sst s9;
	s0 =	simm.s32 @!p0 $0x0  }
0x12: {  	s1 =	sld [smem:$0x3F9D];
	s0 =	simm.s32 @p0 $0x1  }
0x13: {  	[smem:$0x3FB8] =	sst s0;
	s0 =	simm.s32 @!p1 $0x0  }
0x14: {  	s2 =	sld [smem:$0x3F9C];
	s0 =	simm.s32 @p1 $0x1  }
0x15: {  	[smem:$0x3FB9] =	sst s0;
	s0 =	simm.s32 @!p2 $0x0  }
0x16: {  	s3 =	sld [smem:$0x3FDB];
	s0 =	simm.s32 @p2 $0x1  }
0x17: {  	s4 =	simm.s32 $0x1BF5;
	[smem:$0x3FBB] =	sst s0  }
0x18: {  	s0 =	sld [smem:$0x3F9E];
	_ =	swait.ge [sflag:s4], $0x0  }
0x19: {  	s7 =	sld [smem:$0x3F9F]  }
0x1a: {  	s8 =	sadd.s32 $0xFFFFE003, lr  }
0x1b: {  	s9 =	sadd.s32 $0xFFFFFEF7, lr;
	s5 =	simm.s32 $0xFFFFFFFF;
	p2 =	slt.u32 s8, $0xFFFFF086  }
0x1c: {  	p1 =	slt.u32 s9, $0xF7A;
	s5 =	simm.s32 @!p2 $0x0  }
0x1d: {  	s5 =	simm.s32 @p1 $0x1;
	p0 =	seq.s32 s7, s2  }
0x1e: {  	s7 =	smul.u32 @!p0 $0xF7A, s2;
	p2 =	seq.s32 @!p0 s5, $0x0  }
0x1f: {  	s9 =	smul.u32 $0xF7A, s1;
	s8 =	simm.s32 @!p0 $0x1BF5;
	p2 =	por !p2, p0  }
0x20: {  	[sflag:s8] =	ssyncset.s32 @!p0 $0xFFFFF086;
	s6 =	sadd.s32 @!p0 s3, s7;
	s7 =	simm.s32 @!p0 $0x108  }
0x21: {  	s3 =	sadd.s32 s3, s9;
	s6 =	sadd.s32 @!p0 $0x88, s6;
	s7 =	simm.s32 @p2 $0x1082  }
0x22: {  	[simem:s7], [sflag:s8] =	dma.local @!p0 [hbm:s6], $0xF7A  }
0x23: {  	s9 =	sor.u32 $0xD0000000, s2;
	s6 =	simm.s32 $0x108;
	_ =	swait.ge @!p0 [sflag:s8], $0x0  }
0x24: {  	s3 =	sadd.s32 $0x88, s3;
	s6 =	simm.s32 @!p1 $0x1082;
	[sflag:s4] =	ssyncset.s32 $0xFFFFF086  }
0x25: {  	[simem:s6], [sflag:s4] =	dma.local [hbm:s3], $0xF7A  }
0x26: {  	[smem:$0x3F9F] =	sst s1;
	(tag) =	ssettag s2;
	_ =	strace s9  }
0x27: {  	s1 =	sld [smem:$0x3FAF]  }
0x28: {  	s2 =	sld [smem:$0x3FB0]  }
0x29: {  	s4 =	sld [smem:$0x3FB2]  }
0x2a: {  	p0 =	seq.s32 s5, $0x0;
	s5 =	sld [smem:$0x3FB3]  }
0x2b: {  	s6 =	sld [smem:$0x3FB4]  }
0x2c: {  	s7 =	sld [smem:$0x3FB5]  }
0x2d: {  	s3 =	simm.s32 $0x108;
	s8 =	sld [smem:$0x3FB6]  }
0x2e: {  	s3 =	simm.s32 @!p0 $0x1082;
	s9 =	sld [smem:$0x3FB7]  }
0x2f: {  	lr =	sadd.s32 s0, s3;
	s0 =	sld [smem:$0x3FAE]  }
0x30: {  	s3 =	sld [smem:$0x3FB1]  }
0x31: {  	[smem:$0x3FBA] =	sst s10  }
0x32: {  	s10 =	sld [smem:$0x3FB8];
	_ =	sdelay $0x3  }
0x33: {  	p0 =	seq.s32 s10, $0x1;
	s10 =	sld [smem:$0x3FBA];
	_ =	sdelay $0x3  }
0x34: {  	[smem:$0x3FBA] =	sst s10  }
0x35: {  	s10 =	sld [smem:$0x3FB9];
	_ =	sdelay $0x3  }
0x36: {  	p1 =	seq.s32 s10, $0x1;
	s10 =	sld [smem:$0x3FBA];
	_ =	sdelay $0x3  }
0x37: {  	[smem:$0x3FBA] =	sst s10  }
0x38: {  	s10 =	sld [smem:$0x3FBB]  }
0x39: {  	_ = 	snop;
	(pc) =	sbr.ind lr, $3  }
0x3a: {  	_ = 	snop  }
0x3b: {  	_ = 	snop  }
0x3c: {  	p2 =	seq.s32 s10, $0x1;
	s10 =	sld [smem:$0x3FBA]  }
0x3d: {  	_ =	shalt  }
0x3e: {  	_ =	shalt  }
0x3f: {  	_ =	shalt  }
0x40: {  	_ =	shalt  }
0x41: {  	_ =	shalt  }
0x42: {  	_ =	shalt  }
0x43: {  	_ =	shalt  }
0x44: {  	_ =	shalt  }
0x45: {  	_ =	shalt  }
0x46: {  	_ =	shalt  }
0x47: {  	_ =	shalt  }
0x48: {  	_ =	shalt  }
0x49: {  	_ =	shalt  }
0x4a: {  	_ =	shalt  }
0x4b: {  	_ =	shalt  }
0x4c: {  	_ =	shalt  }
0x4d: {  	_ =	shalt  }
0x4e: {  	_ =	shalt  }
0x4f: {  	_ =	shalt  }
0x50: {  	_ =	shalt  }
0x51: {  	_ =	shalt  }
0x52: {  	_ =	shalt  }
0x53: {  	_ =	shalt  }
0x54: {  	_ =	shalt  }
0x55: {  	_ =	shalt  }
0x56: {  	_ =	shalt  }
0x57: {  	_ =	shalt  }
0x58: {  	_ =	shalt  }
0x59: {  	_ =	shalt  }
0x5a: {  	_ =	shalt  }
0x5b: {  	_ =	shalt  }
0x5c: {  	_ =	shalt  }
0x5d: {  	_ =	shalt  }
0x5e: {  	_ =	shalt  }
0x5f: {  	_ =	shalt  }
0x60: {  	_ =	shalt  }
0x61: {  	_ =	shalt  }
0x62: {  	_ =	shalt  }
0x63: {  	_ =	shalt  }
0x64: {  	_ =	shalt  }
0x65: {  	_ =	shalt  }
0x66: {  	_ =	shalt  }
0x67: {  	_ =	shalt  }
0x68: {  	_ =	shalt  }
0x69: {  	_ =	shalt  }
0x6a: {  	_ =	shalt  }
0x6b: {  	_ =	shalt  }
0x6c: {  	_ =	shalt  }
0x6d: {  	_ =	shalt  }
0x6e: {  	_ =	shalt  }
0x6f: {  	_ =	shalt  }
0x70: {  	_ =	shalt  }
0x71: {  	_ =	shalt  }
0x72: {  	_ =	shalt  }
0x73: {  	_ =	shalt  }
0x74: {  	_ =	shalt  }
0x75: {  	_ =	shalt  }
0x76: {  	_ =	shalt  }
0x77: {  	_ =	shalt  }
0x78: {  	_ =	shalt  }
0x79: {  	_ =	shalt  }
0x7a: {  	_ =	shalt  }
0x7b: {  	_ =	shalt  }
0x7c: {  	_ =	shalt  }
0x7d: {  	_ =	shalt  }
0x7e: {  	_ =	shalt  }
0x7f: {  	_ =	shalt  }
0x80: {  	_ =	shalt  }
0x81: {  	_ =	shalt  }
0x82: {  	_ =	shalt  }
0x83: {  	_ =	shalt  }
0x84: {  	_ =	shalt  }
0x85: {  	_ =	shalt  }
0x86: {  	_ =	shalt  }
0x87: {  	_ =	shalt  }
.Lfunc_end0:
.L_simem_size_0:
called_computation_lowered:
.L_overlay_start_0:
0x88: {  	s2 =	sld [smem:$0x3FD9]  }
0x89: {  	s3 =	sld [smem:$0x3FFE];
	_ =	sdelay $0x1  }
0x8a: {  	s1 =	srdreg.scid  }
0x8b: {  	s0 =	sand.u32 $0x1, s1  }
0x8c: {  	s17 =	sshll.u32 s0, $0xA;
	s2 =	sadd.s32 s3, s2  }
0x8d: {  	s2 =	sadd.s32 s2, s17  }
0x8e: {  	[smem:$0x3FC6] =	sst s2  }
0x8f: {  	_ = 	snop  }
0x90: {  	s2 =	sld [smem:$0x3FD0];
	(tm) =	ssettm $0x1  }
0x91: {  	s18 =	sld [smem:$0x3FFB];
	_ =	sdelay $0x3  }
0x92: {  	_ =	strace s18  }
0x93: {  	s3 =	sld [smem:$0x3FFC];
	_ =	sdelay $0x3  }
0x94: {  	_ =	strace s3  }
0x95: {  	s3 =	sld [smem:$0x3FFD];
	_ =	sdelay $0x3  }
0x96: {  	_ =	strace s3  }
0x97: {  	_ =	strace $0x8FFFFFFF  }
0x98: {  	s19 =	sld [smem:$0x3FDB];
	_ =	sdelay $0x1  }
0x99: {  	s4 =	simm.s32 $_scs_section_size  }
0x9a: {  	s5 =	simm.s32 $_size__tile_overlayer_lowered;
	s6 =	simm.s32 $_tile_overlayer_lowered  }
0x9b: {  	s22 =	simm.s32 $0x1BFF;
	s21 =	sshll.u32 s6, $0x1;
	s3 =	sadd.s32 s4, s19  }
0x9c: {  	s7 =	simm.s32 $0x0;
	s20 =	sshll.u32 s5, $0x1;
	s5 =	sadd.s32 s21, s3  }
0x9d: {  	[timem:s7], [sflag:s22] =	dma.local [hbm:s5], s20  }
0x9e: {  	_ =	swait.ge [sflag:s22], s20  }
0x9f: {  	s4 =	ssub.s32 $0x0, s20;
	[sflag:s22] =	ssyncset.done $0x0  }
0xa0: {  	[sflag:s22] =	ssyncadd.s32 s4;
	_ =	sdelay $0x1  }
0xa1: {  	s23 =	simm.s32 $0x1B8B  }
0xa2: {  	_ =	swait.ge [sflag:s23], $0x1  }
0xa3: {  	[sflag:s23] =	ssyncset.done $0x0  }
0xa4: {  	s25 =	simm.s32 $0x1B8E;
	s24 =	sld [smem:$0x3FFE];
	[sflag:s23] =	ssyncadd.s32 $0xFFFFFFFF  }
0xa5: {  	s26 =	simm.s32 $execute0_lowered;
	[smem:$0x3FD2] =	sst s25  }
0xa6: {  	s5 =	sshll.u32 s26, $0x1;
	_ =	strace $0x80000046;
	[dreg:$0x1] =	wrdreg $0xFFFFFFFF  }
0xa7: {  	s28 =	simm.s32 $_size_execute0_lowered;
	s3 =	sadd.s32 s3, s5;
	[dreg:$0x0] =	wrdreg $0x0  }
0xa8: {  	s5 =	sshll.u32 s28, $0x1;
	[dreg:$0x2] =	wrdreg s3  }
0xa9: {  	[dreg:$0x3] =	wrdreg s5  }
0xaa: {  	[dreg:$0x4] =	wrdreg $0xC0  }
0xab: {  	_ =	task [dreg:s7], $0x5FFFF  }
0xac: {  	[dreg:$0x1] =	wrdreg $0xFFFFFFFF  }
0xad: {  	[dreg:$0x0] =	wrdreg $0x60  }
0xae: {  	[dreg:$0x2] =	wrdreg s24  }
0xaf: {  	[dreg:$0x3] =	wrdreg s2  }
0xb0: {  	[dreg:$0x4] =	wrdreg $0x9  }
0xb1: {  	_ =	task.clear_ibuf [dreg:s7], $0x5FFFF;
	_ =	strace $0x90000046  }
0xb2: {  	s29 =	simm.s32 $0x9;
	_ =	strace $0x80000048  }
0xb3: {  	_ =	swait.ge [sflag:s29], $0x1  }
0xb4: {  	[sflag:s29] =	ssyncadd.s32 $0xFFFFFFFF  }
0xb5: {  	_ =	strace $0x90000048  }
0xb6: {  	_ =	sfence  }
0xb7: {  	s30 =	sld [smem:$0x0];
	_ =	sdelay $0x2  }
0xb8: {  	s31 =	sshll.u32 s1, $0xD;
	s1 =	sshrl.u32 s1, $0x2  }
0xb9: {  	s3 =	sand.u32 $0x4000, s31;
	s1 =	sadd.s32 s1, s30  }
0xba: {  	s0 =	sor.u32 s3, s0;
	s1 =	sshll.u32 s1, $0x11  }
0xbb: {  	s0 =	sor.u32 s1, s0  }
0xbc: {  	s0 =	sadd.s32 $0x8F2B, s0  }
0xbd: {  	[sflag:s0] =	ssyncadd.remote.s32 $0x1  }
0xbe: {  	_ =	sfence.sel $0xFFFF  }
0xbf: {  	[dreg:$0x0] =	wrdreg $0xFFFFFFFF;
	(pc) =	sbr.abs _section_cstart, $3  }
0xc0: {  	[dreg:$0x1] =	wrdreg $0xFFFFFFFF  }
0xc1: {  	_ =	task.clear_ibuf [dreg:s7], $0x2FFFF;
	_ =	strace $0x9FFFFFFF  }
0xc2: {  	(tm) =	ssettm $0x7FFFFFFF  }
0xc3: {  	_ =	shalt  }
tec
execute0_lowered:
.L_overlay_start_1:
0x0: {  	(tag) =	ssettag $0x1  }
0x1: {  	s4 =	rddreg [dreg:$0x0];
	s1 =	srdreg.scid  }
0x2: {  	s0 =	stileid.u32;
	s8 =	rddreg [dreg:$0x1]  }
0x3: {  	s2 =	simm.s32 $0x0;
	s13 =	simm.s32 $0x2800;
	s14 =	simm.s32 $0x7800  }
0x4: {  	s15 =	simm.s32 $0x140;
	s16 =	simm.s32 $0xC800;
	s17 =	simm.s32 $0x1  }
0x5: {  	s18 =	simm.s32 $0x1E0;
	s19 =	simm.s32 $0x11800;
	s20 =	simm.s32 $0x2  }
0x6: {  	s21 =	simm.s32 $0x5;
	s22 =	simm.s32 $0x3;
	s23 =	simm.s32 $0x6  }
0x7: {  	s24 =	simm.s32 $0x4;
	s25 =	simm.s32 $0x7;
	s26 =	simm.s32 $0x8  }
0x8: {  	s6 =	sand.u32 $0x1, s1;
	s3 =	sshll.u32 s0, $0x1;
	s31 =	smul.u32 $0x50000, s0  }
0x9: {  	s28 =	simm.s32 $0x0;
	s5 =	sor.u32 s6, s3;
	s12 =	smul.u32 $0x28000, s6  }
0xa: {  	[smem:$0x7FF] =	sst s2;
	s9 =	ssub.s32 $0x2, s6;
	s7 =	smul.u32 $0x2800, s5  }
0xb: {  	_ =	strace $0x80000047;
	s10 =	sshrl.u32 s9, $0x1;
	s11 =	smul.u32 $0x140000, s5  }
0xc: {  	s3 =	sadd.s32 $0xA600, s4;
	s5 =	smul.u32 $0x28000, s5;
	s9 =	ssub.s32 s9, s10  }
0xd: {  	s10 =	sadd.s32 s31, s8;
	s7 =	sshrl.u32 s7, $0x3;
	s30 =	sshrl.u32 s11, $0x3  }
0xe: {  	s5 =	sadd.s32 s8, s5;
	s9 =	smax.u32 s9, $0x1;
	s10 =	sadd.s32 s12, s10  }
0xf: {  	s12 =	simm.s32 $0xA0;
	s4 =	sadd.s32 s7, s4;
	s11 =	sadd.s32 s8, s30  }
0x10: {  	s6 =	sadd.s32 $0xA00, s5;
	s10 =	sadd.s32 $0x1E00, s10;
	s4 =	sadd.s32 $0x600, s4  }
0x11: {  	s7 =	sadd.s32 $0x26C00, s11;
	s8 =	sadd.s32 $0x27600, s11;
	s11 =	simm.s32 $0x9  }
.LBB2_1:
0x12: {  	[tilespmem:s2], [sflag:$0x9] =	stream.linear.gather [hbm4b:s4+s2], $0x2800, $0x38;
	[tilespmem:$0x16800] =	vst v63  }
0x13: {  	_ =	swait.ge [sflag:s11], $0x2800  }
0x14: {  	[sflag:s11] =	ssyncset.done $0x0  }
0x15: {  	[sflag:s11] =	ssyncadd.s32 $0xFFFFD800  }
0x16: {  	[tilespmem:s13], [sflag:$0x1] =	stream.indirect.gather [hbm4b:s3+s12], $0x80, s2, s12, $0xb8;
	[tilespmem:$0x16800] =	vst v63  }
0x17: {  	_ = 	snop  }
0x18: {  	[tilespmem:s14], [sflag:$0x2] =	stream.indirect.gather [hbm4b:s3+s12], $0x80, s12, s12, $0xb8;
	[tilespmem:$0x16800] =	vst v63  }
0x19: {  	_ = 	snop  }
0x1a: {  	[tilespmem:s16], [sflag:$0x3] =	stream.indirect.gather [hbm4b:s3+s12], $0x80, s15, s12, $0xb8;
	[tilespmem:$0x16800] =	vst v63  }
0x1b: {  	_ =	swait.ge [sflag:s17], $0x5000  }
0x1c: {  	[sflag:s17] =	ssyncset.done $0x0  }
0x1d: {  	[sflag:s17] =	ssyncadd.s32 $0xFFFFB000  }
0x1e: {  	[hbm4b:s5+s2] =	stream.linear.scatter [tilespmem:s13], [sflag:$0x5], $0x5000, $0x38;
	[tilespmem:$0x16800] =	vst v63  }
0x1f: {  	_ = 	snop  }
0x20: {  	[tilespmem:s19], [sflag:$0x4] =	stream.indirect.gather [hbm4b:s3+s12], $0x80, s18, s12, $0xb8;
	[tilespmem:$0x16800] =	vst v63  }
0x21: {  	_ =	swait.ge [sflag:s20], $0x5000  }
0x22: {  	[sflag:s20] =	ssyncset.done $0x0  }
0x23: {  	[sflag:s20] =	ssyncadd.s32 $0xFFFFB000  }
0x24: {  	[hbm4b:s6+s2] =	stream.linear.scatter [tilespmem:s14], [sflag:$0x6], $0x5000, $0x38;
	[tilespmem:$0x16800] =	vst v63  }
0x25: {  	_ =	swait.ge [sflag:s21], $0x5000  }
0x26: {  	[sflag:s21] =	ssyncset.done $0x0  }
0x27: {  	s29 =	simm.s32 $0x280;
	[sflag:s21] =	ssyncadd.s32 $0xFFFFB000  }
0x28: {  	[tilespmem:s13], [sflag:$0x1] =	stream.indirect.gather [hbm4b:s3+s12], $0x80, s29, s12, $0xb8;
	[tilespmem:$0x16800] =	vst v63  }
0x29: {  	_ =	swait.ge [sflag:s22], $0x5000  }
0x2a: {  	[sflag:s22] =	ssyncset.done $0x0  }
0x2b: {  	s29 =	sadd.s32 $0xFFFFF600, s10;
	[sflag:s22] =	ssyncadd.s32 $0xFFFFB000  }
0x2c: {  	[hbm4b:s29+s2] =	stream.linear.scatter [tilespmem:s16], [sflag:$0x7], $0x5000, $0x38;
	[tilespmem:$0x16800] =	vst v63  }
0x2d: {  	_ =	swait.ge [sflag:s23], $0x5000  }
0x2e: {  	[sflag:s23] =	ssyncset.done $0x0  }
0x2f: {  	s29 =	simm.s32 $0x320;
	[sflag:s23] =	ssyncadd.s32 $0xFFFFB000  }
0x30: {  	[tilespmem:s14], [sflag:$0x2] =	stream.indirect.gather [hbm4b:s3+s12], $0x80, s29, s12, $0xb8;
	[tilespmem:$0x16800] =	vst v63  }
0x31: {  	_ =	swait.ge [sflag:s24], $0x5000  }
0x32: {  	[sflag:s24] =	ssyncset.done $0x0  }
0x33: {  	[sflag:s24] =	ssyncadd.s32 $0xFFFFB000  }
0x34: {  	[hbm4b:s10+s2] =	stream.linear.scatter [tilespmem:s19], [sflag:$0x8], $0x5000, $0x38;
	[tilespmem:$0x16800] =	vst v63  }
0x35: {  	_ =	swait.ge [sflag:s25], $0x5000  }
0x36: {  	[sflag:s25] =	ssyncset.done $0x0  }
0x37: {  	s29 =	simm.s32 $0x3C0;
	[sflag:s25] =	ssyncadd.s32 $0xFFFFB000  }
0x38: {  	[tilespmem:s16], [sflag:$0x3] =	stream.indirect.gather [hbm4b:s3+s12], $0x80, s29, s12, $0xb8;
	[tilespmem:$0x16800] =	vst v63  }
0x39: {  	_ =	swait.ge [sflag:s17], $0x5000  }
0x3a: {  	[sflag:s17] =	ssyncset.done $0x0  }
0x3b: {  	s29 =	sadd.s32 $0xA00, s10;
	[sflag:s17] =	ssyncadd.s32 $0xFFFFB000  }
0x3c: {  	[hbm4b:s29+s2] =	stream.linear.scatter [tilespmem:s13], [sflag:$0x5], $0x5000, $0x38;
	[tilespmem:$0x16800] =	vst v63  }
0x3d: {  	_ =	swait.ge [sflag:s26], $0x5000  }
0x3e: {  	[sflag:s26] =	ssyncset.done $0x0  }
0x3f: {  	s29 =	simm.s32 $0x460;
	[sflag:s26] =	ssyncadd.s32 $0xFFFFB000  }
0x40: {  	[tilespmem:s19], [sflag:$0x4] =	stream.indirect.gather [hbm4b:s3+s12], $0x80, s29, s12, $0xb8;
	[tilespmem:$0x16800] =	vst v63  }
0x41: {  	_ =	swait.ge [sflag:s20], $0x5000  }
0x42: {  	s31 =	sadd.s32 $0x1400, s10;
	[sflag:s20] =	ssyncset.done $0x0  }
0x43: {  	s30 =	sadd.s32 $0x2800, s10;
	s29 =	simm.s32 $0xA00;
	[sflag:s20] =	ssyncadd.s32 $0xFFFFB000  }
.LBB2_2:
0x44: {  	[hbm4b:s31+s2] =	stream.linear.scatter [tilespmem:s14], [sflag:$0x6], $0x5000, $0x38;
	[tilespmem:$0x16800] =	vst v63  }
0x45: {  	s31 =	smov.u32 s29  }
0x46: {  	p0 =	sne.s32 s29, $0x8C00;
	s29 =	sadd.s32 $0xA00, s29;
	_ =	swait.ge [sflag:s21], $0x5000  }
0x47: {  	s31 =	sshra.s32 s31, $0x2;
	[sflag:s21] =	ssyncset.done $0x0  }
0x48: {  	s1 =	sadd.s32 $0x280, s31;
	[sflag:s21] =	ssyncadd.s32 $0xFFFFB000  }
0x49: {  	[tilespmem:s13], [sflag:$0x1] =	stream.indirect.gather [hbm4b:s3+s12], $0x80, s1, s12, $0xb8;
	[tilespmem:$0x16800] =	vst v63  }
0x4a: {  	_ =	swait.ge [sflag:s22], $0x5000  }
0x4b: {  	[sflag:s22] =	ssyncset.done $0x0  }
0x4c: {  	s1 =	sadd.s32 $0xFFFFF600, s30;
	[sflag:s22] =	ssyncadd.s32 $0xFFFFB000  }
0x4d: {  	[hbm4b:s1+s2] =	stream.linear.scatter [tilespmem:s16], [sflag:$0x7], $0x5000, $0x38;
	[tilespmem:$0x16800] =	vst v63  }
0x4e: {  	_ =	swait.ge [sflag:s23], $0x5000  }
0x4f: {  	[sflag:s23] =	ssyncset.done $0x0  }
0x50: {  	s1 =	sadd.s32 $0x320, s31;
	[sflag:s23] =	ssyncadd.s32 $0xFFFFB000  }
0x51: {  	[tilespmem:s14], [sflag:$0x2] =	stream.indirect.gather [hbm4b:s3+s12], $0x80, s1, s12, $0xb8;
	[tilespmem:$0x16800] =	vst v63  }
0x52: {  	_ =	swait.ge [sflag:s24], $0x5000  }
0x53: {  	[sflag:s24] =	ssyncset.done $0x0  }
0x54: {  	[sflag:s24] =	ssyncadd.s32 $0xFFFFB000  }
0x55: {  	[hbm4b:s30+s2] =	stream.linear.scatter [tilespmem:s19], [sflag:$0x8], $0x5000, $0x38;
	[tilespmem:$0x16800] =	vst v63  }
0x56: {  	_ =	swait.ge [sflag:s25], $0x5000  }
0x57: {  	[sflag:s25] =	ssyncset.done $0x0  }
0x58: {  	s1 =	sadd.s32 $0x3C0, s31;
	[sflag:s25] =	ssyncadd.s32 $0xFFFFB000  }
0x59: {  	[tilespmem:s16], [sflag:$0x3] =	stream.indirect.gather [hbm4b:s3+s12], $0x80, s1, s12, $0xb8;
	[tilespmem:$0x16800] =	vst v63  }
0x5a: {  	_ =	swait.ge [sflag:s17], $0x5000  }
0x5b: {  	[sflag:s17] =	ssyncset.done $0x0  }
0x5c: {  	s1 =	sadd.s32 $0xA00, s30;
	[sflag:s17] =	ssyncadd.s32 $0xFFFFB000  }
0x5d: {  	[hbm4b:s1+s2] =	stream.linear.scatter [tilespmem:s13], [sflag:$0x5], $0x5000, $0x38;
	[tilespmem:$0x16800] =	vst v63  }
0x5e: {  	_ =	swait.ge [sflag:s26], $0x5000  }
0x5f: {  	[sflag:s26] =	ssyncset.done $0x0  }
.Ltmp0:
0x60: {  	s1 =	sadd.s32 $0x460, s31;
	[sflag:s26] =	ssyncadd.s32 $0xFFFFB000;
	(pc) =	sbr.rel @p0 .LBB2_2-.Ltmp0, $4  }
0x61: {  	[tilespmem:s19], [sflag:$0x4] =	stream.indirect.gather [hbm4b:s3+s12], $0x80, s1, s12, $0xb8;
	[tilespmem:$0x16800] =	vst v63  }
0x62: {  	_ =	swait.ge [sflag:s20], $0x5000  }
0x63: {  	[sflag:s20] =	ssyncset.done $0x0  }
0x64: {  	s31 =	sadd.s32 $0x1400, s30;
	s30 =	sadd.s32 $0x2800, s30;
	[sflag:s20] =	ssyncadd.s32 $0xFFFFB000  }
0x65: {  	[hbm4b:s31+s2] =	stream.linear.scatter [tilespmem:s14], [sflag:$0x6], $0x5000, $0x38;
	[tilespmem:$0x16800] =	vst v63  }
0x66: {  	_ =	swait.ge [sflag:s21], $0x5000  }
0x67: {  	[sflag:s21] =	ssyncset.done $0x0  }
0x68: {  	[sflag:s21] =	ssyncadd.s32 $0xFFFFB000  }
0x69: {  	_ =	swait.ge [sflag:s22], $0x5000  }
0x6a: {  	[sflag:s22] =	ssyncset.done $0x0  }
0x6b: {  	[sflag:s22] =	ssyncadd.s32 $0xFFFFB000  }
0x6c: {  	[hbm4b:s7+s2] =	stream.linear.scatter [tilespmem:s16], [sflag:$0x7], $0x5000, $0x38;
	[tilespmem:$0x16800] =	vst v63  }
0x6d: {  	_ =	swait.ge [sflag:s23], $0x5000  }
0x6e: {  	[sflag:s23] =	ssyncset.done $0x0  }
0x6f: {  	[sflag:s23] =	ssyncadd.s32 $0xFFFFB000  }
0x70: {  	_ =	swait.ge [sflag:s24], $0x5000  }
0x71: {  	[sflag:s24] =	ssyncset.done $0x0  }
0x72: {  	s28 =	sadd.s32 $0x1, s28;
	[sflag:s24] =	ssyncadd.s32 $0xFFFFB000  }
0x73: {  	[hbm4b:s8+s2] =	stream.linear.scatter [tilespmem:s19], [sflag:$0x8], $0x5000, $0x38;
	[tilespmem:$0x16800] =	vst v63  }
0x74: {  	p0 =	sne.s32 s28, s9;
	_ =	swait.ge [sflag:s25], $0x5000  }
.Ltmp1:
0x75: {  	[sflag:s25] =	ssyncset.done $0x0;
	(pc) =	sbr.rel @p0 .LBB2_1-.Ltmp1, $4  }
0x76: {  	[sflag:s25] =	ssyncadd.s32 $0xFFFFB000  }
0x77: {  	_ =	swait.ge [sflag:s26], $0x5000  }
0x78: {  	[sflag:s26] =	ssyncset.done $0x0  }
0x79: {  	[sflag:s26] =	ssyncadd.s32 $0xFFFFB000  }
0x7a: {  	_ =	sfence.sel $0x180000  }
0x7b: {  	[bflag:$0x0] =	sbarrier.arrive $0xFFFF  }
0x7c: {  	_ =	strace $0x90000047  }
0x7d: {  	[bflag:$0x2] =	sbarrier.arrive $0xFFFF  }
0x7e: {  	p0 =	sne.s32 s0, $0x0;
	s0 =	rddreg [dreg:$0x2]  }
0x7f: {  	s0 =	sadd.s32 @!p0 $0x100000, s0  }
0x80: {  	[sflag:s0] =	ssyncadd.tile.s32 @!p0 $0x1;
	_ =	shalt  }
.Lfunc_end2:
_tile_overlayer_lowered:
.L_overlay_start_2:
0x81: {  	(tag) =	ssettag $0x2  }
0x82: {  	s0 =	rddreg [dreg:$0x0];
	s2 =	stileid.u32  }
0x83: {  	s1 =	rddreg [dreg:$0x1];
	p0 =	sne.s32 s2, $0x0  }
0x84: {  	s3 =	rddreg [dreg:$0x2];
	[bflag:$0x3] =	sbarrier.arrive $0xFFFF;
	s2 =	simm.s32 @!p0 $0x1C09  }
0x85: {  	[timem:s3], [sflag:s2] =	dma.local @!p0 [hbm:s0], s1  }
0x86: {  	s0 =	simm.s32 @!p0 $0x9  }
0x87: {  	_ =	swait.ge @!p0 [sflag:s0], s1  }
0x88: {  	s1 =	ssub.s32 @!p0 $0x0, s1;
	[sflag:s0] =	ssyncset.done @!p0 $0x0  }
0x89: {  	[sflag:s0] =	ssyncadd.s32 @!p0 s1  }
0x8a: {  	[bflag:$0x3] =	sbarrier.arrive $0xFFFF  }
0x8b: {  	_ =	shalt  }

</sc_bundles>
